<compile_context>
chip_gen: v7x
topology: tpu7x:2x2x1
jax: 0.10.2.dev20260603
libtpu: 0.0.44.dev20260713+nightly
codegen_flags: <defaults>
</compile_context>

<pallas_src>
import functools

import jax
import jax.numpy as jnp
from jax import lax
from jax.experimental import pallas as pl
from jax.experimental.pallas import tpu as pltpu
from jax.experimental.pallas import tpu_sc as plsc

_HBM = pltpu.MemorySpace.HBM
_SMEM = pltpu.MemorySpace.SMEM


def _sc_gather_rows(ids, table):
    (B,) = ids.shape
    T, H = table.shape
    mesh = plsc.ScalarSubcoreMesh(axis_name="c", num_cores=1)

    @functools.partial(
        pl.kernel,
        mesh=mesh,
        out_type=jax.ShapeDtypeStruct((B, H), jnp.float32),
        scratch_types=[
            pltpu.SMEM((B,), jnp.int32),
            pltpu.VMEM_SHARED((T, H), jnp.float32),
            pltpu.SemaphoreType.DMA,
        ],
    )
    def k(ids_hbm, table_hbm, out_hbm, ids_s, table_sp, sem):
        pltpu.sync_copy(ids_hbm, ids_s)
        pltpu.sync_copy(table_hbm, table_sp)

        def fire(b, _):
            tid = ids_s[b]
            pltpu.make_async_copy(
                table_sp.at[pl.ds(tid, 1), :], out_hbm.at[pl.ds(b, 1), :], sem
            ).start()
            return 0

        lax.fori_loop(0, B, fire, 0)

        def drain(b, _):
            pltpu.make_async_copy(
                table_sp.at[pl.ds(0, 1), :], out_hbm.at[pl.ds(b, 1), :], sem
            ).wait()
            return 0

        lax.fori_loop(0, B, drain, 0)

    return k(ids, table)


def _tc_stream(x2d, embedding, gate2d, ids, table, rows, prev, b_lo, b_hi,
               B, P, H):
    NBUF = 4
    use_rows = rows is not None
    T = table.shape[0]

    def body(*refs):
        if use_rows:
            (x_hbm, emb_hbm, gate_hbm, rows_hbm, *rest) = refs
        else:
            (x_hbm, emb_hbm, gate_hbm, ids_smem, table_hbm, *rest) = refs
        if prev is not None:
            rest = rest[1:]
        o_hbm = rest[0]
        (emb_v, rows_v, gate_v, inb, outb, insem, outsem, psem) = rest[1:]

        pltpu.make_async_copy(emb_hbm, emb_v, psem).start()
        src_small = rows_hbm if use_rows else table_hbm
        pltpu.make_async_copy(src_small, rows_v, psem).start()
        pltpu.make_async_copy(gate_hbm, gate_v, psem).start()
        pltpu.make_async_copy(emb_hbm, emb_v, psem).wait()
        pltpu.make_async_copy(src_small, rows_v, psem).wait()
        pltpu.make_async_copy(gate_hbm, gate_v, psem).wait()
        g = jnp.tanh(gate_v[...])
        emb_v[...] = g * emb_v[...]
        rows_v[...] = g * rows_v[...]

        def row_for(i):
            if use_rows:
                return rows_v[pl.ds(i, 1), :]
            return rows_v[pl.ds(ids_smem[i], 1), :]

        def start_in(i):
            slot = lax.rem(i - b_lo, NBUF)
            pltpu.make_async_copy(
                x_hbm.at[pl.ds(i * P, P), :], inb.at[slot], insem.at[slot]
            ).start()

        for i in range(b_lo, b_lo + NBUF):
            start_in(i)

        def step(i, _):
            slot = lax.rem(i - b_lo, NBUF)
            pltpu.make_async_copy(
                x_hbm.at[pl.ds(i * P, P), :], inb.at[slot], insem.at[slot]
            ).wait()

            @pl.when(i - b_lo >= NBUF)
            def _():
                pltpu.make_async_copy(
                    outb.at[slot], o_hbm.at[pl.ds((i - NBUF) * P, P), :],
                    outsem.at[slot],
                ).wait()

            outb[slot] = inb[slot] + emb_v[...] + row_for(i)
            pltpu.make_async_copy(
                outb.at[slot], o_hbm.at[pl.ds(i * P, P), :], outsem.at[slot]
            ).start()

            @pl.when(i + NBUF < b_hi)
            def _():
                start_in(i + NBUF)

            return 0

        lax.fori_loop(b_lo, b_hi, step, 0)

        def drain(i, _):
            slot = lax.rem(i - b_lo, NBUF)
            pltpu.make_async_copy(
                outb.at[slot], o_hbm.at[pl.ds(i * P, P), :], outsem.at[slot]
            ).wait()
            return 0

        lax.fori_loop(b_hi - NBUF, b_hi, drain, 0)

    if use_rows:
        in_specs = [
            pl.BlockSpec(memory_space=_HBM),
            pl.BlockSpec(memory_space=_HBM),
            pl.BlockSpec(memory_space=_HBM),
            pl.BlockSpec(memory_space=_HBM),
        ]
        args = [x2d, embedding, gate2d, rows]
        small_shape = (B, H)
    else:
        in_specs = [
            pl.BlockSpec(memory_space=_HBM),
            pl.BlockSpec(memory_space=_HBM),
            pl.BlockSpec(memory_space=_HBM),
            pl.BlockSpec(memory_space=_SMEM),
            pl.BlockSpec(memory_space=_HBM),
        ]
        args = [x2d, embedding, gate2d, ids, table]
        small_shape = (T, H)

    kwargs = {}
    if prev is not None:
        in_specs.append(pl.BlockSpec(memory_space=_HBM))
        args.append(prev)
        kwargs["input_output_aliases"] = {len(args) - 1: 0}

    return pl.pallas_call(
        body,
        in_specs=in_specs,
        out_specs=pl.BlockSpec(memory_space=_HBM),
        out_shape=jax.ShapeDtypeStruct((B * P, H), jnp.float32),
        scratch_shapes=[
            pltpu.VMEM((P, H), jnp.float32),
            pltpu.VMEM(small_shape, jnp.float32),
            pltpu.VMEM((1, 1), jnp.float32),
            pltpu.VMEM((NBUF, P, H), jnp.float32),
            pltpu.VMEM((NBUF, P, H), jnp.float32),
            pltpu.SemaphoreType.DMA((NBUF,)),
            pltpu.SemaphoreType.DMA((NBUF,)),
            pltpu.SemaphoreType.DMA,
        ],
        **kwargs,
    )(*args)


def kernel(x, tile_ids, embedding, gate, tile_embedding_table):
    B, P, H = x.shape
    B1 = 24
    ids = tile_ids.reshape(B).astype(jnp.int32)
    x2d = x.reshape(B * P, H)
    gate2d = gate.reshape(1, 1)
    rows = _sc_gather_rows(ids, tile_embedding_table)
    out1 = _tc_stream(x2d, embedding, gate2d, ids, tile_embedding_table,
                      None, None, 0, B1, B, P, H)
    out2 = _tc_stream(x2d, embedding, gate2d, None, tile_embedding_table,
                      rows, out1, B1, B, B, P, H)
    return out2.reshape(B, P, H)

# --- scband reference (transcript-rebuilt; emitter-appended) ---
"""Pipeline reference for scband-gated-positional-embedding-61418032333468 (READ-ONLY COPY).

The authoritative reference and input builder live on the scoring server;
editing this copy changes nothing except your own understanding.
"""

import jax, jax.numpy as jnp
import numpy as np

NUM_PATCHES = 576
HIDDEN_DIM = 768
MAX_NUM_TILES = 4
BATCH = 64

def setup_inputs(seed: int = 0) -> dict:
    key = jax.random.key(seed)
    k_x, k_tid, k_emb, k_gate, k_tile = jax.random.split(key, 5)
    x = jax.random.normal(k_x, (BATCH, NUM_PATCHES, HIDDEN_DIM), dtype=jnp.float32)
    tile_ids = jax.random.randint(k_tid, (BATCH, 1), 0, MAX_NUM_TILES, dtype=jnp.int64 if jax.config.jax_enable_x64 else jnp.int32)
    # learned parameters (initializer 'zeros' in the original; use small random for a non-degenerate reference)
    embedding = jax.random.normal(k_emb, (NUM_PATCHES, HIDDEN_DIM), dtype=jnp.float32) * 0.02
    gate = jax.random.normal(k_gate, (1,), dtype=jnp.float32) * 0.1
    tile_embedding_table = jax.random.normal(k_tile, (MAX_NUM_TILES, HIDDEN_DIM), dtype=jnp.float32) * 0.02
    return {"x": x, "tile_ids": tile_ids, "embedding": embedding, "gate": gate, "tile_embedding_table": tile_embedding_table}

def reference(x, tile_ids, embedding, gate, tile_embedding_table):
    # tile_embed: [B, 1, H] via embedding lookup (gather)
    tile_embed = jnp.take(tile_embedding_table, tile_ids, axis=0)
    # pos_embed: [num_patches, H] broadcast-added with [B, 1, H] -> [B, num_patches, H]
    pos_embed = embedding + tile_embed
    g = jnp.tanh(gate)
    return x + g * pos_embed

if __name__ == "__main__":
    import jax
    _d = setup_inputs()
    print(jax.jit(kernel)(*tuple(_d.values())))

</pallas_src>

<mosaic_0001>
#map = affine_map<(d0) -> (0)>
#map1 = affine_map<(d0) -> (0, 0)>
module attributes {stable_mosaic.version = 14 : i64} {
  func.func @k(%arg0: i32, %arg1: memref<64xi32, #tpu.memory_space<hbm>>, %arg2: memref<4x768xf32, #tpu.memory_space<hbm>>, %arg3: memref<64x768xf32, #tpu.memory_space<hbm>>, %arg4: memref<64xi32, #tpu.memory_space<smem>>, %arg5: memref<4x768xf32, #tpu.memory_space<vmem_shared>>, %arg6: memref<!tpu.dma_semaphore, #tpu.memory_space<semaphore_mem>>) attributes {dimension_semantics = [#tpu.dimension_semantics<core_parallel>], iteration_bounds = array<i64: 1>, scalar_prefetch = 0 : i64, scratch_operands = 3 : i64, tpu.core_type = #tpu.core_type<sc_scalar_subcore>, window_params = [{transform_indices = #map}, {transform_indices = #map1}, {transform_indices = #map1}]} {
    "tpu.region"() ({
      %run_scoped3A = tpu.sem_alloc : memref<!tpu.dma_semaphore, #tpu.memory_space<semaphore_mem>>
      tpu.enqueue_dma source(%arg1 : memref<64xi32, #tpu.memory_space<hbm>>) target(%arg4 : memref<64xi32, #tpu.memory_space<smem>>) target_semaphore(%run_scoped3A : memref<!tpu.dma_semaphore, #tpu.memory_space<semaphore_mem>>)
      tpu.wait_dma2 semaphore(%run_scoped3A : memref<!tpu.dma_semaphore, #tpu.memory_space<semaphore_mem>>) src(%arg1 : memref<64xi32, #tpu.memory_space<hbm>>) dst(%arg4 : memref<64xi32, #tpu.memory_space<smem>>)
      tpu.yield
    }) : () -> ()
    "tpu.region"() ({
      %run_scoped3A = tpu.sem_alloc : memref<!tpu.dma_semaphore, #tpu.memory_space<semaphore_mem>>
      tpu.enqueue_dma source(%arg2 : memref<4x768xf32, #tpu.memory_space<hbm>>) target(%arg5 : memref<4x768xf32, #tpu.memory_space<vmem_shared>>) target_semaphore(%run_scoped3A : memref<!tpu.dma_semaphore, #tpu.memory_space<semaphore_mem>>)
      tpu.wait_dma2 semaphore(%run_scoped3A : memref<!tpu.dma_semaphore, #tpu.memory_space<semaphore_mem>>) src(%arg2 : memref<4x768xf32, #tpu.memory_space<hbm>>) dst(%arg5 : memref<4x768xf32, #tpu.memory_space<vmem_shared>>)
      tpu.yield
    }) : () -> ()
    %scan3A = arith.constant 0 : i32
    %scan3A_0 = arith.constant 0 : i32
    %scan3A_1 = arith.constant 64 : i32
    %scan3A_2 = arith.addi %scan3A_0, %scan3A_1 : i32
    %scan3A_3 = arith.constant 1 : i32
    %scan3A_4 = scf.for %scan3A_13 = %scan3A_0 to %scan3A_2 step %scan3A_3 iter_args(%scan3A_14 = %scan3A) -> (i32)  : i32 {
      %get3A = arith.index_cast %scan3A_13 : i32 to index
      %get3A_15 = memref.load %arg4[%get3A] : memref<64xi32, #tpu.memory_space<smem>>
      %dma_start3A = arith.constant 0 : i32
      %dma_start3A_16 = tpu.memref_slice %arg3[%scan3A_13, %dma_start3A] : memref<64x768xf32, #tpu.memory_space<hbm>> -> memref<1x768xf32, #tpu.memory_space<hbm>>
      %dma_start3A_17 = arith.constant 0 : i32
      %dma_start3A_18 = tpu.memref_slice %arg5[%get3A_15, %dma_start3A_17] : memref<4x768xf32, #tpu.memory_space<vmem_shared>> -> memref<1x768xf32, #tpu.memory_space<vmem_shared>>
      tpu.enqueue_dma source(%dma_start3A_18 : memref<1x768xf32, #tpu.memory_space<vmem_shared>>) target(%dma_start3A_16 : memref<1x768xf32, #tpu.memory_space<hbm>>) target_semaphore(%arg6 : memref<!tpu.dma_semaphore, #tpu.memory_space<semaphore_mem>>)
      %scan3A_19 = arith.constant 0 : i32
      scf.yield %scan3A_19 : i32
    }
    %scan3A_5 = arith.constant 64 : i32
    %scan3A_6 = arith.constant 0 : i32
    %scan3A_7 = arith.constant 0 : i32
    %scan3A_8 = arith.constant 64 : i32
    %scan3A_9 = arith.addi %scan3A_7, %scan3A_8 : i32
    %scan3A_10 = arith.constant 1 : i32
    %scan3A_11 = scf.for %scan3A_13 = %scan3A_7 to %scan3A_9 step %scan3A_10 iter_args(%scan3A_14 = %scan3A_6) -> (i32)  : i32 {
      %dma_wait3A = arith.constant 0 : i32
      %dma_wait3A_15 = tpu.memref_slice %arg3[%scan3A_13, %dma_wait3A] : memref<64x768xf32, #tpu.memory_space<hbm>> -> memref<1x768xf32, #tpu.memory_space<hbm>>
      %dma_wait3A_16 = arith.constant 0 : i32
      %dma_wait3A_17 = arith.constant 0 : i32
      %dma_wait3A_18 = tpu.memref_slice %arg5[%dma_wait3A_16, %dma_wait3A_17] : memref<4x768xf32, #tpu.memory_space<vmem_shared>> -> memref<1x768xf32, #tpu.memory_space<vmem_shared>>
      tpu.wait_dma2 semaphore(%arg6 : memref<!tpu.dma_semaphore, #tpu.memory_space<semaphore_mem>>) src(%dma_wait3A_18 : memref<1x768xf32, #tpu.memory_space<vmem_shared>>) dst(%dma_wait3A_15 : memref<1x768xf32, #tpu.memory_space<hbm>>)
      %scan3A_19 = arith.constant 0 : i32
      scf.yield %scan3A_19 : i32
    }
    %scan3A_12 = arith.constant 64 : i32
    return
  }
}

module attributes {stable_mosaic.version = 14 : i64} {
  func.func @body(%arg0: memref<36864x768xf32, #tpu.memory_space<hbm>>, %arg1: memref<576x768xf32, #tpu.memory_space<hbm>>, %arg2: memref<1x1xf32, #tpu.memory_space<hbm>>, %arg3: memref<64xi32, #tpu.memory_space<smem>>, %arg4: memref<4x768xf32, #tpu.memory_space<hbm>>, %arg5: memref<36864x768xf32, #tpu.memory_space<hbm>>, %arg6: memref<576x768xf32, #tpu.memory_space<vmem>>, %arg7: memref<4x768xf32, #tpu.memory_space<vmem>>, %arg8: memref<1x1xf32, #tpu.memory_space<vmem>>, %arg9: memref<4x576x768xf32, #tpu.memory_space<vmem>>, %arg10: memref<4x576x768xf32, #tpu.memory_space<vmem>>, %arg11: memref<4x!tpu.dma_semaphore, #tpu.memory_space<semaphore_mem>>, %arg12: memref<4x!tpu.dma_semaphore, #tpu.memory_space<semaphore_mem>>, %arg13: memref<!tpu.dma_semaphore, #tpu.memory_space<semaphore_mem>>) attributes {dimension_semantics = [], scalar_prefetch = 0 : i64, scratch_operands = 8 : i64, tpu.core_type = #tpu.core_type<tc>} {
    tpu.enqueue_dma source(%arg1 : memref<576x768xf32, #tpu.memory_space<hbm>>) target(%arg6 : memref<576x768xf32, #tpu.memory_space<vmem>>) target_semaphore(%arg13 : memref<!tpu.dma_semaphore, #tpu.memory_space<semaphore_mem>>)
    tpu.enqueue_dma source(%arg4 : memref<4x768xf32, #tpu.memory_space<hbm>>) target(%arg7 : memref<4x768xf32, #tpu.memory_space<vmem>>) target_semaphore(%arg13 : memref<!tpu.dma_semaphore, #tpu.memory_space<semaphore_mem>>)
    tpu.enqueue_dma source(%arg2 : memref<1x1xf32, #tpu.memory_space<hbm>>) target(%arg8 : memref<1x1xf32, #tpu.memory_space<vmem>>) target_semaphore(%arg13 : memref<!tpu.dma_semaphore, #tpu.memory_space<semaphore_mem>>)
    tpu.wait_dma2 semaphore(%arg13 : memref<!tpu.dma_semaphore, #tpu.memory_space<semaphore_mem>>) src(%arg1 : memref<576x768xf32, #tpu.memory_space<hbm>>) dst(%arg6 : memref<576x768xf32, #tpu.memory_space<vmem>>)
    tpu.wait_dma2 semaphore(%arg13 : memref<!tpu.dma_semaphore, #tpu.memory_space<semaphore_mem>>) src(%arg4 : memref<4x768xf32, #tpu.memory_space<hbm>>) dst(%arg7 : memref<4x768xf32, #tpu.memory_space<vmem>>)
    tpu.wait_dma2 semaphore(%arg13 : memref<!tpu.dma_semaphore, #tpu.memory_space<semaphore_mem>>) src(%arg2 : memref<1x1xf32, #tpu.memory_space<hbm>>) dst(%arg8 : memref<1x1xf32, #tpu.memory_space<vmem>>)
    %get3A = arith.constant 0 : index
    %get3A_0 = arith.constant 0 : index
    %get3A_1 = vector.load %arg8[%get3A, %get3A_0] : memref<1x1xf32, #tpu.memory_space<vmem>>, vector<1x1xf32>
    %tanh3A = math.tanh %get3A_1 : vector<1x1xf32>
    %get3A_2 = arith.constant 0 : index
    %get3A_3 = arith.constant 0 : index
    %get3A_4 = vector.load %arg6[%get3A_2, %get3A_3] : memref<576x768xf32, #tpu.memory_space<vmem>>, vector<576x768xf32>
    %mul3A = vector.broadcast %tanh3A : vector<1x1xf32> to vector<576x768xf32>
    %mul3A_5 = arith.mulf %mul3A, %get3A_4 : vector<576x768xf32>
    %swap3A = arith.constant 0 : index
    %swap3A_6 = arith.constant 0 : index
    %swap3A_7 = vector.load %arg6[%swap3A, %swap3A_6] : memref<576x768xf32, #tpu.memory_space<vmem>>, vector<576x768xf32>
    tpu.vector_store %arg6[%swap3A, %swap3A_6], %mul3A_5 {strides = array<i32>} : memref<576x768xf32, #tpu.memory_space<vmem>>, vector<576x768xf32>,
    %get3A_8 = arith.constant 0 : index
    %get3A_9 = arith.constant 0 : index
    %get3A_10 = vector.load %arg7[%get3A_8, %get3A_9] : memref<4x768xf32, #tpu.memory_space<vmem>>, vector<4x768xf32>
    %mul3A_11 = vector.broadcast %tanh3A : vector<1x1xf32> to vector<4x768xf32>
    %mul3A_12 = arith.mulf %mul3A_11, %get3A_10 : vector<4x768xf32>
    %swap3A_13 = arith.constant 0 : index
    %swap3A_14 = arith.constant 0 : index
    %swap3A_15 = vector.load %arg7[%swap3A_13, %swap3A_14] : memref<4x768xf32, #tpu.memory_space<vmem>>, vector<4x768xf32>
    tpu.vector_store %arg7[%swap3A_13, %swap3A_14], %mul3A_12 {strides = array<i32>} : memref<4x768xf32, #tpu.memory_space<vmem>>, vector<4x768xf32>,
    %rem3A = arith.constant 0 : i32
    %rem3A_16 = arith.constant 4 : i32
    %rem3A_17 = arith.remsi %rem3A, %rem3A_16 : i32
    %dma_start3A = tpu.memref_slice %arg11[%rem3A_17] : memref<4x!tpu.dma_semaphore, #tpu.memory_space<semaphore_mem>> -> memref<1x!tpu.dma_semaphore, #tpu.memory_space<semaphore_mem>>
    %dma_start3A_18 = tpu.memref_squeeze %dma_start3A : memref<1x!tpu.dma_semaphore, #tpu.memory_space<semaphore_mem>> -> memref<!tpu.dma_semaphore, #tpu.memory_space<semaphore_mem>>
    %dma_start3A_19 = arith.constant 0 : i32
    %dma_start3A_20 = arith.constant 0 : i32
    %dma_start3A_21 = tpu.memref_slice %arg9[%rem3A_17, %dma_start3A_19, %dma_start3A_20] : memref<4x576x768xf32, #tpu.memory_space<vmem>> -> memref<1x576x768xf32, #tpu.memory_space<vmem>>
    %dma_start3A_22 = tpu.memref_squeeze %dma_start3A_21 : memref<1x576x768xf32, #tpu.memory_space<vmem>> -> memref<576x768xf32, #tpu.memory_space<vmem>>
    %dma_start3A_23 = arith.constant 0 : i32
    %dma_start3A_24 = arith.constant 0 : i32
    %dma_start3A_25 = tpu.memref_slice %arg0[%dma_start3A_23, %dma_start3A_24] : memref<36864x768xf32, #tpu.memory_space<hbm>> -> memref<576x768xf32, #tpu.memory_space<hbm>>
    tpu.enqueue_dma source(%dma_start3A_25 : memref<576x768xf32, #tpu.memory_space<hbm>>) target(%dma_start3A_22 : memref<576x768xf32, #tpu.memory_space<vmem>>) target_semaphore(%dma_start3A_18 : memref<!tpu.dma_semaphore, #tpu.memory_space<semaphore_mem>>)
    %rem3A_26 = arith.constant 1 : i32
    %rem3A_27 = arith.constant 4 : i32
    %rem3A_28 = arith.remsi %rem3A_26, %rem3A_27 : i32
    %dma_start3A_29 = tpu.memref_slice %arg11[%rem3A_28] : memref<4x!tpu.dma_semaphore, #tpu.memory_space<semaphore_mem>> -> memref<1x!tpu.dma_semaphore, #tpu.memory_space<semaphore_mem>>
    %dma_start3A_30 = tpu.memref_squeeze %dma_start3A_29 : memref<1x!tpu.dma_semaphore, #tpu.memory_space<semaphore_mem>> -> memref<!tpu.dma_semaphore, #tpu.memory_space<semaphore_mem>>
    %dma_start3A_31 = arith.constant 0 : i32
    %dma_start3A_32 = arith.constant 0 : i32
    %dma_start3A_33 = tpu.memref_slice %arg9[%rem3A_28, %dma_start3A_31, %dma_start3A_32] : memref<4x576x768xf32, #tpu.memory_space<vmem>> -> memref<1x576x768xf32, #tpu.memory_space<vmem>>
    %dma_start3A_34 = tpu.memref_squeeze %dma_start3A_33 : memref<1x576x768xf32, #tpu.memory_space<vmem>> -> memref<576x768xf32, #tpu.memory_space<vmem>>
    %dma_start3A_35 = arith.constant 576 : i32
    %dma_start3A_36 = arith.constant 0 : i32
    %dma_start3A_37 = tpu.memref_slice %arg0[%dma_start3A_35, %dma_start3A_36] : memref<36864x768xf32, #tpu.memory_space<hbm>> -> memref<576x768xf32, #tpu.memory_space<hbm>>
    tpu.enqueue_dma source(%dma_start3A_37 : memref<576x768xf32, #tpu.memory_space<hbm>>) target(%dma_start3A_34 : memref<576x768xf32, #tpu.memory_space<vmem>>) target_semaphore(%dma_start3A_30 : memref<!tpu.dma_semaphore, #tpu.memory_space<semaphore_mem>>)
    %rem3A_38 = arith.constant 2 : i32
    %rem3A_39 = arith.constant 4 : i32
    %rem3A_40 = arith.remsi %rem3A_38, %rem3A_39 : i32
    %dma_start3A_41 = tpu.memref_slice %arg11[%rem3A_40] : memref<4x!tpu.dma_semaphore, #tpu.memory_space<semaphore_mem>> -> memref<1x!tpu.dma_semaphore, #tpu.memory_space<semaphore_mem>>
    %dma_start3A_42 = tpu.memref_squeeze %dma_start3A_41 : memref<1x!tpu.dma_semaphore, #tpu.memory_space<semaphore_mem>> -> memref<!tpu.dma_semaphore, #tpu.memory_space<semaphore_mem>>
    %dma_start3A_43 = arith.constant 0 : i32
    %dma_start3A_44 = arith.constant 0 : i32
    %dma_start3A_45 = tpu.memref_slice %arg9[%rem3A_40, %dma_start3A_43, %dma_start3A_44] : memref<4x576x768xf32, #tpu.memory_space<vmem>> -> memref<1x576x768xf32, #tpu.memory_space<vmem>>
    %dma_start3A_46 = tpu.memref_squeeze %dma_start3A_45 : memref<1x576x768xf32, #tpu.memory_space<vmem>> -> memref<576x768xf32, #tpu.memory_space<vmem>>
    %dma_start3A_47 = arith.constant 1152 : i32
    %dma_start3A_48 = arith.constant 0 : i32
    %dma_start3A_49 = tpu.memref_slice %arg0[%dma_start3A_47, %dma_start3A_48] : memref<36864x768xf32, #tpu.memory_space<hbm>> -> memref<576x768xf32, #tpu.memory_space<hbm>>
    tpu.enqueue_dma source(%dma_start3A_49 : memref<576x768xf32, #tpu.memory_space<hbm>>) target(%dma_start3A_46 : memref<576x768xf32, #tpu.memory_space<vmem>>) target_semaphore(%dma_start3A_42 : memref<!tpu.dma_semaphore, #tpu.memory_space<semaphore_mem>>)
    %rem3A_50 = arith.constant 3 : i32
    %rem3A_51 = arith.constant 4 : i32
    %rem3A_52 = arith.remsi %rem3A_50, %rem3A_51 : i32
    %dma_start3A_53 = tpu.memref_slice %arg11[%rem3A_52] : memref<4x!tpu.dma_semaphore, #tpu.memory_space<semaphore_mem>> -> memref<1x!tpu.dma_semaphore, #tpu.memory_space<semaphore_mem>>
    %dma_start3A_54 = tpu.memref_squeeze %dma_start3A_53 : memref<1x!tpu.dma_semaphore, #tpu.memory_space<semaphore_mem>> -> memref<!tpu.dma_semaphore, #tpu.memory_space<semaphore_mem>>
    %dma_start3A_55 = arith.constant 0 : i32
    %dma_start3A_56 = arith.constant 0 : i32
    %dma_start3A_57 = tpu.memref_slice %arg9[%rem3A_52, %dma_start3A_55, %dma_start3A_56] : memref<4x576x768xf32, #tpu.memory_space<vmem>> -> memref<1x576x768xf32, #tpu.memory_space<vmem>>
    %dma_start3A_58 = tpu.memref_squeeze %dma_start3A_57 : memref<1x576x768xf32, #tpu.memory_space<vmem>> -> memref<576x768xf32, #tpu.memory_space<vmem>>
    %dma_start3A_59 = arith.constant 1728 : i32
    %dma_start3A_60 = arith.constant 0 : i32
    %dma_start3A_61 = tpu.memref_slice %arg0[%dma_start3A_59, %dma_start3A_60] : memref<36864x768xf32, #tpu.memory_space<hbm>> -> memref<576x768xf32, #tpu.memory_space<hbm>>
    tpu.enqueue_dma source(%dma_start3A_61 : memref<576x768xf32, #tpu.memory_space<hbm>>) target(%dma_start3A_58 : memref<576x768xf32, #tpu.memory_space<vmem>>) target_semaphore(%dma_start3A_54 : memref<!tpu.dma_semaphore, #tpu.memory_space<semaphore_mem>>)
    %scan3A = arith.constant 0 : i32
    %scan3A_62 = arith.constant 24 : i32
    %scan3A_63 = arith.addi %scan3A, %scan3A_62 : i32
    %scan3A_64 = arith.constant 1 : i32
    scf.for %scan3A_71 = %scan3A to %scan3A_63 step %scan3A_64  : i32 {
      %sub3A = arith.constant 0 : i32
      %sub3A_72 = arith.subi %scan3A_71, %sub3A : i32
      %rem3A_73 = arith.constant 4 : i32
      %rem3A_74 = arith.remsi %sub3A_72, %rem3A_73 : i32
      %mul3A_75 = arith.constant 576 : i32
      %mul3A_76 = arith.muli %scan3A_71, %mul3A_75 : i32
      %dma_wait3A = tpu.memref_slice %arg11[%rem3A_74] : memref<4x!tpu.dma_semaphore, #tpu.memory_space<semaphore_mem>> -> memref<1x!tpu.dma_semaphore, #tpu.memory_space<semaphore_mem>>
      %dma_wait3A_77 = tpu.memref_squeeze %dma_wait3A : memref<1x!tpu.dma_semaphore, #tpu.memory_space<semaphore_mem>> -> memref<!tpu.dma_semaphore, #tpu.memory_space<semaphore_mem>>
      %dma_wait3A_78 = arith.constant 0 : i32
      %dma_wait3A_79 = arith.constant 0 : i32
      %dma_wait3A_80 = tpu.memref_slice %arg9[%rem3A_74, %dma_wait3A_78, %dma_wait3A_79] : memref<4x576x768xf32, #tpu.memory_space<vmem>> -> memref<1x576x768xf32, #tpu.memory_space<vmem>>
      %dma_wait3A_81 = tpu.memref_squeeze %dma_wait3A_80 : memref<1x576x768xf32, #tpu.memory_space<vmem>> -> memref<576x768xf32, #tpu.memory_space<vmem>>
      %dma_wait3A_82 = arith.constant 0 : i32
      %dma_wait3A_83 = tpu.memref_slice %arg0[%mul3A_76, %dma_wait3A_82] : memref<36864x768xf32, #tpu.memory_space<hbm>> -> memref<576x768xf32, #tpu.memory_space<hbm>>
      tpu.wait_dma2 semaphore(%dma_wait3A_77 : memref<!tpu.dma_semaphore, #tpu.memory_space<semaphore_mem>>) src(%dma_wait3A_83 : memref<576x768xf32, #tpu.memory_space<hbm>>) dst(%dma_wait3A_81 : memref<576x768xf32, #tpu.memory_space<vmem>>)
      %sub3A_84 = arith.constant 0 : i32
      %sub3A_85 = arith.subi %scan3A_71, %sub3A_84 : i32
      %ge3A = arith.constant 4 : i32
      %ge3A_86 = arith.cmpi sge, %sub3A_85, %ge3A : i32
      %convert_element_type3A = arith.extui %ge3A_86 : i1 to i32
      %cond3A = arith.constant 0 : i32
      %cond3A_87 = arith.cmpi ne, %convert_element_type3A, %cond3A : i32
      scf.if %cond3A_87 {
        %sub3A_125 = arith.constant 4 : i32
        %sub3A_126 = arith.subi %scan3A_71, %sub3A_125 : i32
        %mul3A_127 = arith.constant 576 : i32
        %mul3A_128 = arith.muli %sub3A_126, %mul3A_127 : i32
        %dma_wait3A_129 = tpu.memref_slice %arg12[%rem3A_74] : memref<4x!tpu.dma_semaphore, #tpu.memory_space<semaphore_mem>> -> memref<1x!tpu.dma_semaphore, #tpu.memory_space<semaphore_mem>>
        %dma_wait3A_130 = tpu.memref_squeeze %dma_wait3A_129 : memref<1x!tpu.dma_semaphore, #tpu.memory_space<semaphore_mem>> -> memref<!tpu.dma_semaphore, #tpu.memory_space<semaphore_mem>>
        %dma_wait3A_131 = arith.constant 0 : i32
        %dma_wait3A_132 = tpu.memref_slice %arg5[%mul3A_128, %dma_wait3A_131] : memref<36864x768xf32, #tpu.memory_space<hbm>> -> memref<576x768xf32, #tpu.memory_space<hbm>>
        %dma_wait3A_133 = arith.constant 0 : i32
        %dma_wait3A_134 = arith.constant 0 : i32
        %dma_wait3A_135 = tpu.memref_slice %arg10[%rem3A_74, %dma_wait3A_133, %dma_wait3A_134] : memref<4x576x768xf32, #tpu.memory_space<vmem>> -> memref<1x576x768xf32, #tpu.memory_space<vmem>>
        %dma_wait3A_136 = tpu.memref_squeeze %dma_wait3A_135 : memref<1x576x768xf32, #tpu.memory_space<vmem>> -> memref<576x768xf32, #tpu.memory_space<vmem>>
        tpu.wait_dma2 semaphore(%dma_wait3A_130 : memref<!tpu.dma_semaphore, #tpu.memory_space<semaphore_mem>>) src(%dma_wait3A_136 : memref<576x768xf32, #tpu.memory_space<vmem>>) dst(%dma_wait3A_132 : memref<576x768xf32, #tpu.memory_space<hbm>>)
      } else {
      }
      %get3A_88 = arith.index_cast %rem3A_74 : i32 to index
      %get3A_89 = arith.constant 0 : index
      %get3A_90 = arith.constant 0 : index
      %get3A_91 = vector.load %arg9[%get3A_88, %get3A_89, %get3A_90] : memref<4x576x768xf32, #tpu.memory_space<vmem>>, vector<1x576x768xf32>
      %get3A_92 = vector.shape_cast %get3A_91 : vector<1x576x768xf32> to vector<576x768xf32>
      %get3A_93 = arith.constant 0 : index
      %get3A_94 = arith.constant 0 : index
      %get3A_95 = vector.load %arg6[%get3A_93, %get3A_94] : memref<576x768xf32, #tpu.memory_space<vmem>>, vector<576x768xf32>
      %add3A = arith.addf %get3A_92, %get3A_95 : vector<576x768xf32>
      %get3A_96 = arith.index_cast %scan3A_71 : i32 to index
      %get3A_97 = memref.load %arg3[%get3A_96] : memref<64xi32, #tpu.memory_space<smem>>
      %get3A_98 = arith.index_cast %get3A_97 : i32 to index
      %get3A_99 = arith.constant 0 : index
      %get3A_100 = vector.load %arg7[%get3A_98, %get3A_99] : memref<4x768xf32, #tpu.memory_space<vmem>>, vector<1x768xf32>
      %add3A_101 = vector.broadcast %get3A_100 : vector<1x768xf32> to vector<576x768xf32>
      %add3A_102 = arith.addf %add3A, %add3A_101 : vector<576x768xf32>
      %swap3A_103 = arith.index_cast %rem3A_74 : i32 to index
      %swap3A_104 = arith.constant 0 : index
      %swap3A_105 = arith.constant 0 : index
      %swap3A_106 = vector.load %arg10[%swap3A_103, %swap3A_104, %swap3A_105] : memref<4x576x768xf32, #tpu.memory_space<vmem>>, vector<1x576x768xf32>
      %swap3A_107 = vector.shape_cast %swap3A_106 : vector<1x576x768xf32> to vector<576x768xf32>
      %swap3A_108 = vector.shape_cast %add3A_102 : vector<576x768xf32> to vector<1x576x768xf32>
      tpu.vector_store %arg10[%swap3A_103, %swap3A_104, %swap3A_105], %swap3A_108 {strides = array<i32>} : memref<4x576x768xf32, #tpu.memory_space<vmem>>, vector<1x576x768xf32>,
      %mul3A_109 = arith.constant 576 : i32
      %mul3A_110 = arith.muli %scan3A_71, %mul3A_109 : i32
      %dma_start3A_111 = tpu.memref_slice %arg12[%rem3A_74] : memref<4x!tpu.dma_semaphore, #tpu.memory_space<semaphore_mem>> -> memref<1x!tpu.dma_semaphore, #tpu.memory_space<semaphore_mem>>
      %dma_start3A_112 = tpu.memref_squeeze %dma_start3A_111 : memref<1x!tpu.dma_semaphore, #tpu.memory_space<semaphore_mem>> -> memref<!tpu.dma_semaphore, #tpu.memory_space<semaphore_mem>>
      %dma_start3A_113 = arith.constant 0 : i32
      %dma_start3A_114 = tpu.memref_slice %arg5[%mul3A_110, %dma_start3A_113] : memref<36864x768xf32, #tpu.memory_space<hbm>> -> memref<576x768xf32, #tpu.memory_space<hbm>>
      %dma_start3A_115 = arith.constant 0 : i32
      %dma_start3A_116 = arith.constant 0 : i32
      %dma_start3A_117 = tpu.memref_slice %arg10[%rem3A_74, %dma_start3A_115, %dma_start3A_116] : memref<4x576x768xf32, #tpu.memory_space<vmem>> -> memref<1x576x768xf32, #tpu.memory_space<vmem>>
      %dma_start3A_118 = tpu.memref_squeeze %dma_start3A_117 : memref<1x576x768xf32, #tpu.memory_space<vmem>> -> memref<576x768xf32, #tpu.memory_space<vmem>>
      tpu.enqueue_dma source(%dma_start3A_118 : memref<576x768xf32, #tpu.memory_space<vmem>>) target(%dma_start3A_114 : memref<576x768xf32, #tpu.memory_space<hbm>>) target_semaphore(%dma_start3A_112 : memref<!tpu.dma_semaphore, #tpu.memory_space<semaphore_mem>>)
      %add3A_119 = arith.constant 4 : i32
      %add3A_120 = arith.addi %scan3A_71, %add3A_119 : i32
      %lt3A = arith.constant 24 : i32
      %lt3A_121 = arith.cmpi slt, %add3A_120, %lt3A : i32
      %convert_element_type3A_122 = arith.extui %lt3A_121 : i1 to i32
      %cond3A_123 = arith.constant 0 : i32
      %cond3A_124 = arith.cmpi ne, %convert_element_type3A_122, %cond3A_123 : i32
      scf.if %cond3A_124 {
        %add3A_125 = arith.constant 4 : i32
        %add3A_126 = arith.addi %scan3A_71, %add3A_125 : i32
        %sub3A_127 = arith.constant 0 : i32
        %sub3A_128 = arith.subi %add3A_126, %sub3A_127 : i32
        %rem3A_129 = arith.constant 4 : i32
        %rem3A_130 = arith.remsi %sub3A_128, %rem3A_129 : i32
        %mul3A_131 = arith.constant 576 : i32
        %mul3A_132 = arith.muli %add3A_126, %mul3A_131 : i32
        %dma_start3A_133 = tpu.memref_slice %arg11[%rem3A_130] : memref<4x!tpu.dma_semaphore, #tpu.memory_space<semaphore_mem>> -> memref<1x!tpu.dma_semaphore, #tpu.memory_space<semaphore_mem>>
        %dma_start3A_134 = tpu.memref_squeeze %dma_start3A_133 : memref<1x!tpu.dma_semaphore, #tpu.memory_space<semaphore_mem>> -> memref<!tpu.dma_semaphore, #tpu.memory_space<semaphore_mem>>
        %dma_start3A_135 = arith.constant 0 : i32
        %dma_start3A_136 = arith.constant 0 : i32
        %dma_start3A_137 = tpu.memref_slice %arg9[%rem3A_130, %dma_start3A_135, %dma_start3A_136] : memref<4x576x768xf32, #tpu.memory_space<vmem>> -> memref<1x576x768xf32, #tpu.memory_space<vmem>>
        %dma_start3A_138 = tpu.memref_squeeze %dma_start3A_137 : memref<1x576x768xf32, #tpu.memory_space<vmem>> -> memref<576x768xf32, #tpu.memory_space<vmem>>
        %dma_start3A_139 = arith.constant 0 : i32
        %dma_start3A_140 = tpu.memref_slice %arg0[%mul3A_132, %dma_start3A_139] : memref<36864x768xf32, #tpu.memory_space<hbm>> -> memref<576x768xf32, #tpu.memory_space<hbm>>
        tpu.enqueue_dma source(%dma_start3A_140 : memref<576x768xf32, #tpu.memory_space<hbm>>) target(%dma_start3A_138 : memref<576x768xf32, #tpu.memory_space<vmem>>) target_semaphore(%dma_start3A_134 : memref<!tpu.dma_semaphore, #tpu.memory_space<semaphore_mem>>)
      } else {
      }
    }
    %scan3A_65 = arith.constant 24 : i32
    %scan3A_66 = arith.constant 20 : i32
    %scan3A_67 = arith.constant 4 : i32
    %scan3A_68 = arith.addi %scan3A_66, %scan3A_67 : i32
    %scan3A_69 = arith.constant 1 : i32
    scf.for %scan3A_71 = %scan3A_66 to %scan3A_68 step %scan3A_69  : i32 {
      %sub3A = arith.constant 0 : i32
      %sub3A_72 = arith.subi %scan3A_71, %sub3A : i32
      %rem3A_73 = arith.constant 4 : i32
      %rem3A_74 = arith.remsi %sub3A_72, %rem3A_73 : i32
      %mul3A_75 = arith.constant 576 : i32
      %mul3A_76 = arith.muli %scan3A_71, %mul3A_75 : i32
      %dma_wait3A = tpu.memref_slice %arg12[%rem3A_74] : memref<4x!tpu.dma_semaphore, #tpu.memory_space<semaphore_mem>> -> memref<1x!tpu.dma_semaphore, #tpu.memory_space<semaphore_mem>>
      %dma_wait3A_77 = tpu.memref_squeeze %dma_wait3A : memref<1x!tpu.dma_semaphore, #tpu.memory_space<semaphore_mem>> -> memref<!tpu.dma_semaphore, #tpu.memory_space<semaphore_mem>>
      %dma_wait3A_78 = arith.constant 0 : i32
      %dma_wait3A_79 = tpu.memref_slice %arg5[%mul3A_76, %dma_wait3A_78] : memref<36864x768xf32, #tpu.memory_space<hbm>> -> memref<576x768xf32, #tpu.memory_space<hbm>>
      %dma_wait3A_80 = arith.constant 0 : i32
      %dma_wait3A_81 = arith.constant 0 : i32
      %dma_wait3A_82 = tpu.memref_slice %arg10[%rem3A_74, %dma_wait3A_80, %dma_wait3A_81] : memref<4x576x768xf32, #tpu.memory_space<vmem>> -> memref<1x576x768xf32, #tpu.memory_space<vmem>>
      %dma_wait3A_83 = tpu.memref_squeeze %dma_wait3A_82 : memref<1x576x768xf32, #tpu.memory_space<vmem>> -> memref<576x768xf32, #tpu.memory_space<vmem>>
      tpu.wait_dma2 semaphore(%dma_wait3A_77 : memref<!tpu.dma_semaphore, #tpu.memory_space<semaphore_mem>>) src(%dma_wait3A_83 : memref<576x768xf32, #tpu.memory_space<vmem>>) dst(%dma_wait3A_79 : memref<576x768xf32, #tpu.memory_space<hbm>>)
    }
    %scan3A_70 = arith.constant 4 : i32
    return
  }
}

module attributes {stable_mosaic.version = 14 : i64} {
  func.func @body(%arg0: memref<36864x768xf32, #tpu.memory_space<hbm>>, %arg1: memref<576x768xf32, #tpu.memory_space<hbm>>, %arg2: memref<1x1xf32, #tpu.memory_space<hbm>>, %arg3: memref<64x768xf32, #tpu.memory_space<hbm>>, %arg4: memref<36864x768xf32, #tpu.memory_space<hbm>>, %arg5: memref<36864x768xf32, #tpu.memory_space<hbm>>, %arg6: memref<576x768xf32, #tpu.memory_space<vmem>>, %arg7: memref<64x768xf32, #tpu.memory_space<vmem>>, %arg8: memref<1x1xf32, #tpu.memory_space<vmem>>, %arg9: memref<4x576x768xf32, #tpu.memory_space<vmem>>, %arg10: memref<4x576x768xf32, #tpu.memory_space<vmem>>, %arg11: memref<4x!tpu.dma_semaphore, #tpu.memory_space<semaphore_mem>>, %arg12: memref<4x!tpu.dma_semaphore, #tpu.memory_space<semaphore_mem>>, %arg13: memref<!tpu.dma_semaphore, #tpu.memory_space<semaphore_mem>>) attributes {dimension_semantics = [], scalar_prefetch = 0 : i64, scratch_operands = 8 : i64, tpu.core_type = #tpu.core_type<tc>} {
    tpu.enqueue_dma source(%arg1 : memref<576x768xf32, #tpu.memory_space<hbm>>) target(%arg6 : memref<576x768xf32, #tpu.memory_space<vmem>>) target_semaphore(%arg13 : memref<!tpu.dma_semaphore, #tpu.memory_space<semaphore_mem>>)
    tpu.enqueue_dma source(%arg3 : memref<64x768xf32, #tpu.memory_space<hbm>>) target(%arg7 : memref<64x768xf32, #tpu.memory_space<vmem>>) target_semaphore(%arg13 : memref<!tpu.dma_semaphore, #tpu.memory_space<semaphore_mem>>)
    tpu.enqueue_dma source(%arg2 : memref<1x1xf32, #tpu.memory_space<hbm>>) target(%arg8 : memref<1x1xf32, #tpu.memory_space<vmem>>) target_semaphore(%arg13 : memref<!tpu.dma_semaphore, #tpu.memory_space<semaphore_mem>>)
    tpu.wait_dma2 semaphore(%arg13 : memref<!tpu.dma_semaphore, #tpu.memory_space<semaphore_mem>>) src(%arg1 : memref<576x768xf32, #tpu.memory_space<hbm>>) dst(%arg6 : memref<576x768xf32, #tpu.memory_space<vmem>>)
    tpu.wait_dma2 semaphore(%arg13 : memref<!tpu.dma_semaphore, #tpu.memory_space<semaphore_mem>>) src(%arg3 : memref<64x768xf32, #tpu.memory_space<hbm>>) dst(%arg7 : memref<64x768xf32, #tpu.memory_space<vmem>>)
    tpu.wait_dma2 semaphore(%arg13 : memref<!tpu.dma_semaphore, #tpu.memory_space<semaphore_mem>>) src(%arg2 : memref<1x1xf32, #tpu.memory_space<hbm>>) dst(%arg8 : memref<1x1xf32, #tpu.memory_space<vmem>>)
    %get3A = arith.constant 0 : index
    %get3A_0 = arith.constant 0 : index
    %get3A_1 = vector.load %arg8[%get3A, %get3A_0] : memref<1x1xf32, #tpu.memory_space<vmem>>, vector<1x1xf32>
    %tanh3A = math.tanh %get3A_1 : vector<1x1xf32>
    %get3A_2 = arith.constant 0 : index
    %get3A_3 = arith.constant 0 : index
    %get3A_4 = vector.load %arg6[%get3A_2, %get3A_3] : memref<576x768xf32, #tpu.memory_space<vmem>>, vector<576x768xf32>
    %mul3A = vector.broadcast %tanh3A : vector<1x1xf32> to vector<576x768xf32>
    %mul3A_5 = arith.mulf %mul3A, %get3A_4 : vector<576x768xf32>
    %swap3A = arith.constant 0 : index
    %swap3A_6 = arith.constant 0 : index
    %swap3A_7 = vector.load %arg6[%swap3A, %swap3A_6] : memref<576x768xf32, #tpu.memory_space<vmem>>, vector<576x768xf32>
    tpu.vector_store %arg6[%swap3A, %swap3A_6], %mul3A_5 {strides = array<i32>} : memref<576x768xf32, #tpu.memory_space<vmem>>, vector<576x768xf32>,
    %get3A_8 = arith.constant 0 : index
    %get3A_9 = arith.constant 0 : index
    %get3A_10 = vector.load %arg7[%get3A_8, %get3A_9] : memref<64x768xf32, #tpu.memory_space<vmem>>, vector<64x768xf32>
    %mul3A_11 = vector.broadcast %tanh3A : vector<1x1xf32> to vector<64x768xf32>
    %mul3A_12 = arith.mulf %mul3A_11, %get3A_10 : vector<64x768xf32>
    %swap3A_13 = arith.constant 0 : index
    %swap3A_14 = arith.constant 0 : index
    %swap3A_15 = vector.load %arg7[%swap3A_13, %swap3A_14] : memref<64x768xf32, #tpu.memory_space<vmem>>, vector<64x768xf32>
    tpu.vector_store %arg7[%swap3A_13, %swap3A_14], %mul3A_12 {strides = array<i32>} : memref<64x768xf32, #tpu.memory_space<vmem>>, vector<64x768xf32>,
    %rem3A = arith.constant 0 : i32
    %rem3A_16 = arith.constant 4 : i32
    %rem3A_17 = arith.remsi %rem3A, %rem3A_16 : i32
    %dma_start3A = tpu.memref_slice %arg11[%rem3A_17] : memref<4x!tpu.dma_semaphore, #tpu.memory_space<semaphore_mem>> -> memref<1x!tpu.dma_semaphore, #tpu.memory_space<semaphore_mem>>
    %dma_start3A_18 = tpu.memref_squeeze %dma_start3A : memref<1x!tpu.dma_semaphore, #tpu.memory_space<semaphore_mem>> -> memref<!tpu.dma_semaphore, #tpu.memory_space<semaphore_mem>>
    %dma_start3A_19 = arith.constant 0 : i32
    %dma_start3A_20 = arith.constant 0 : i32
    %dma_start3A_21 = tpu.memref_slice %arg9[%rem3A_17, %dma_start3A_19, %dma_start3A_20] : memref<4x576x768xf32, #tpu.memory_space<vmem>> -> memref<1x576x768xf32, #tpu.memory_space<vmem>>
    %dma_start3A_22 = tpu.memref_squeeze %dma_start3A_21 : memref<1x576x768xf32, #tpu.memory_space<vmem>> -> memref<576x768xf32, #tpu.memory_space<vmem>>
    %dma_start3A_23 = arith.constant 13824 : i32
    %dma_start3A_24 = arith.constant 0 : i32
    %dma_start3A_25 = tpu.memref_slice %arg0[%dma_start3A_23, %dma_start3A_24] : memref<36864x768xf32, #tpu.memory_space<hbm>> -> memref<576x768xf32, #tpu.memory_space<hbm>>
    tpu.enqueue_dma source(%dma_start3A_25 : memref<576x768xf32, #tpu.memory_space<hbm>>) target(%dma_start3A_22 : memref<576x768xf32, #tpu.memory_space<vmem>>) target_semaphore(%dma_start3A_18 : memref<!tpu.dma_semaphore, #tpu.memory_space<semaphore_mem>>)
    %rem3A_26 = arith.constant 1 : i32
    %rem3A_27 = arith.constant 4 : i32
    %rem3A_28 = arith.remsi %rem3A_26, %rem3A_27 : i32
    %dma_start3A_29 = tpu.memref_slice %arg11[%rem3A_28] : memref<4x!tpu.dma_semaphore, #tpu.memory_space<semaphore_mem>> -> memref<1x!tpu.dma_semaphore, #tpu.memory_space<semaphore_mem>>
    %dma_start3A_30 = tpu.memref_squeeze %dma_start3A_29 : memref<1x!tpu.dma_semaphore, #tpu.memory_space<semaphore_mem>> -> memref<!tpu.dma_semaphore, #tpu.memory_space<semaphore_mem>>
    %dma_start3A_31 = arith.constant 0 : i32
    %dma_start3A_32 = arith.constant 0 : i32
    %dma_start3A_33 = tpu.memref_slice %arg9[%rem3A_28, %dma_start3A_31, %dma_start3A_32] : memref<4x576x768xf32, #tpu.memory_space<vmem>> -> memref<1x576x768xf32, #tpu.memory_space<vmem>>
    %dma_start3A_34 = tpu.memref_squeeze %dma_start3A_33 : memref<1x576x768xf32, #tpu.memory_space<vmem>> -> memref<576x768xf32, #tpu.memory_space<vmem>>
    %dma_start3A_35 = arith.constant 14400 : i32
    %dma_start3A_36 = arith.constant 0 : i32
    %dma_start3A_37 = tpu.memref_slice %arg0[%dma_start3A_35, %dma_start3A_36] : memref<36864x768xf32, #tpu.memory_space<hbm>> -> memref<576x768xf32, #tpu.memory_space<hbm>>
    tpu.enqueue_dma source(%dma_start3A_37 : memref<576x768xf32, #tpu.memory_space<hbm>>) target(%dma_start3A_34 : memref<576x768xf32, #tpu.memory_space<vmem>>) target_semaphore(%dma_start3A_30 : memref<!tpu.dma_semaphore, #tpu.memory_space<semaphore_mem>>)
    %rem3A_38 = arith.constant 2 : i32
    %rem3A_39 = arith.constant 4 : i32
    %rem3A_40 = arith.remsi %rem3A_38, %rem3A_39 : i32
    %dma_start3A_41 = tpu.memref_slice %arg11[%rem3A_40] : memref<4x!tpu.dma_semaphore, #tpu.memory_space<semaphore_mem>> -> memref<1x!tpu.dma_semaphore, #tpu.memory_space<semaphore_mem>>
    %dma_start3A_42 = tpu.memref_squeeze %dma_start3A_41 : memref<1x!tpu.dma_semaphore, #tpu.memory_space<semaphore_mem>> -> memref<!tpu.dma_semaphore, #tpu.memory_space<semaphore_mem>>
    %dma_start3A_43 = arith.constant 0 : i32
    %dma_start3A_44 = arith.constant 0 : i32
    %dma_start3A_45 = tpu.memref_slice %arg9[%rem3A_40, %dma_start3A_43, %dma_start3A_44] : memref<4x576x768xf32, #tpu.memory_space<vmem>> -> memref<1x576x768xf32, #tpu.memory_space<vmem>>
    %dma_start3A_46 = tpu.memref_squeeze %dma_start3A_45 : memref<1x576x768xf32, #tpu.memory_space<vmem>> -> memref<576x768xf32, #tpu.memory_space<vmem>>
    %dma_start3A_47 = arith.constant 14976 : i32
    %dma_start3A_48 = arith.constant 0 : i32
    %dma_start3A_49 = tpu.memref_slice %arg0[%dma_start3A_47, %dma_start3A_48] : memref<36864x768xf32, #tpu.memory_space<hbm>> -> memref<576x768xf32, #tpu.memory_space<hbm>>
    tpu.enqueue_dma source(%dma_start3A_49 : memref<576x768xf32, #tpu.memory_space<hbm>>) target(%dma_start3A_46 : memref<576x768xf32, #tpu.memory_space<vmem>>) target_semaphore(%dma_start3A_42 : memref<!tpu.dma_semaphore, #tpu.memory_space<semaphore_mem>>)
    %rem3A_50 = arith.constant 3 : i32
    %rem3A_51 = arith.constant 4 : i32
    %rem3A_52 = arith.remsi %rem3A_50, %rem3A_51 : i32
    %dma_start3A_53 = tpu.memref_slice %arg11[%rem3A_52] : memref<4x!tpu.dma_semaphore, #tpu.memory_space<semaphore_mem>> -> memref<1x!tpu.dma_semaphore, #tpu.memory_space<semaphore_mem>>
    %dma_start3A_54 = tpu.memref_squeeze %dma_start3A_53 : memref<1x!tpu.dma_semaphore, #tpu.memory_space<semaphore_mem>> -> memref<!tpu.dma_semaphore, #tpu.memory_space<semaphore_mem>>
    %dma_start3A_55 = arith.constant 0 : i32
    %dma_start3A_56 = arith.constant 0 : i32
    %dma_start3A_57 = tpu.memref_slice %arg9[%rem3A_52, %dma_start3A_55, %dma_start3A_56] : memref<4x576x768xf32, #tpu.memory_space<vmem>> -> memref<1x576x768xf32, #tpu.memory_space<vmem>>
    %dma_start3A_58 = tpu.memref_squeeze %dma_start3A_57 : memref<1x576x768xf32, #tpu.memory_space<vmem>> -> memref<576x768xf32, #tpu.memory_space<vmem>>
    %dma_start3A_59 = arith.constant 15552 : i32
    %dma_start3A_60 = arith.constant 0 : i32
    %dma_start3A_61 = tpu.memref_slice %arg0[%dma_start3A_59, %dma_start3A_60] : memref<36864x768xf32, #tpu.memory_space<hbm>> -> memref<576x768xf32, #tpu.memory_space<hbm>>
    tpu.enqueue_dma source(%dma_start3A_61 : memref<576x768xf32, #tpu.memory_space<hbm>>) target(%dma_start3A_58 : memref<576x768xf32, #tpu.memory_space<vmem>>) target_semaphore(%dma_start3A_54 : memref<!tpu.dma_semaphore, #tpu.memory_space<semaphore_mem>>)
    %scan3A = arith.constant 24 : i32
    %scan3A_62 = arith.constant 40 : i32
    %scan3A_63 = arith.addi %scan3A, %scan3A_62 : i32
    %scan3A_64 = arith.constant 1 : i32
    scf.for %scan3A_71 = %scan3A to %scan3A_63 step %scan3A_64  : i32 {
      %sub3A = arith.constant 24 : i32
      %sub3A_72 = arith.subi %scan3A_71, %sub3A : i32
      %rem3A_73 = arith.constant 4 : i32
      %rem3A_74 = arith.remsi %sub3A_72, %rem3A_73 : i32
      %mul3A_75 = arith.constant 576 : i32
      %mul3A_76 = arith.muli %scan3A_71, %mul3A_75 : i32
      %dma_wait3A = tpu.memref_slice %arg11[%rem3A_74] : memref<4x!tpu.dma_semaphore, #tpu.memory_space<semaphore_mem>> -> memref<1x!tpu.dma_semaphore, #tpu.memory_space<semaphore_mem>>
      %dma_wait3A_77 = tpu.memref_squeeze %dma_wait3A : memref<1x!tpu.dma_semaphore, #tpu.memory_space<semaphore_mem>> -> memref<!tpu.dma_semaphore, #tpu.memory_space<semaphore_mem>>
      %dma_wait3A_78 = arith.constant 0 : i32
      %dma_wait3A_79 = arith.constant 0 : i32
      %dma_wait3A_80 = tpu.memref_slice %arg9[%rem3A_74, %dma_wait3A_78, %dma_wait3A_79] : memref<4x576x768xf32, #tpu.memory_space<vmem>> -> memref<1x576x768xf32, #tpu.memory_space<vmem>>
      %dma_wait3A_81 = tpu.memref_squeeze %dma_wait3A_80 : memref<1x576x768xf32, #tpu.memory_space<vmem>> -> memref<576x768xf32, #tpu.memory_space<vmem>>
      %dma_wait3A_82 = arith.constant 0 : i32
      %dma_wait3A_83 = tpu.memref_slice %arg0[%mul3A_76, %dma_wait3A_82] : memref<36864x768xf32, #tpu.memory_space<hbm>> -> memref<576x768xf32, #tpu.memory_space<hbm>>
      tpu.wait_dma2 semaphore(%dma_wait3A_77 : memref<!tpu.dma_semaphore, #tpu.memory_space<semaphore_mem>>) src(%dma_wait3A_83 : memref<576x768xf32, #tpu.memory_space<hbm>>) dst(%dma_wait3A_81 : memref<576x768xf32, #tpu.memory_space<vmem>>)
      %sub3A_84 = arith.constant 24 : i32
      %sub3A_85 = arith.subi %scan3A_71, %sub3A_84 : i32
      %ge3A = arith.constant 4 : i32
      %ge3A_86 = arith.cmpi sge, %sub3A_85, %ge3A : i32
      %convert_element_type3A = arith.extui %ge3A_86 : i1 to i32
      %cond3A = arith.constant 0 : i32
      %cond3A_87 = arith.cmpi ne, %convert_element_type3A, %cond3A : i32
      scf.if %cond3A_87 {
        %sub3A_123 = arith.constant 4 : i32
        %sub3A_124 = arith.subi %scan3A_71, %sub3A_123 : i32
        %mul3A_125 = arith.constant 576 : i32
        %mul3A_126 = arith.muli %sub3A_124, %mul3A_125 : i32
        %dma_wait3A_127 = tpu.memref_slice %arg12[%rem3A_74] : memref<4x!tpu.dma_semaphore, #tpu.memory_space<semaphore_mem>> -> memref<1x!tpu.dma_semaphore, #tpu.memory_space<semaphore_mem>>
        %dma_wait3A_128 = tpu.memref_squeeze %dma_wait3A_127 : memref<1x!tpu.dma_semaphore, #tpu.memory_space<semaphore_mem>> -> memref<!tpu.dma_semaphore, #tpu.memory_space<semaphore_mem>>
        %dma_wait3A_129 = arith.constant 0 : i32
        %dma_wait3A_130 = tpu.memref_slice %arg5[%mul3A_126, %dma_wait3A_129] : memref<36864x768xf32, #tpu.memory_space<hbm>> -> memref<576x768xf32, #tpu.memory_space<hbm>>
        %dma_wait3A_131 = arith.constant 0 : i32
        %dma_wait3A_132 = arith.constant 0 : i32
        %dma_wait3A_133 = tpu.memref_slice %arg10[%rem3A_74, %dma_wait3A_131, %dma_wait3A_132] : memref<4x576x768xf32, #tpu.memory_space<vmem>> -> memref<1x576x768xf32, #tpu.memory_space<vmem>>
        %dma_wait3A_134 = tpu.memref_squeeze %dma_wait3A_133 : memref<1x576x768xf32, #tpu.memory_space<vmem>> -> memref<576x768xf32, #tpu.memory_space<vmem>>
        tpu.wait_dma2 semaphore(%dma_wait3A_128 : memref<!tpu.dma_semaphore, #tpu.memory_space<semaphore_mem>>) src(%dma_wait3A_134 : memref<576x768xf32, #tpu.memory_space<vmem>>) dst(%dma_wait3A_130 : memref<576x768xf32, #tpu.memory_space<hbm>>)
      } else {
      }
      %get3A_88 = arith.index_cast %rem3A_74 : i32 to index
      %get3A_89 = arith.constant 0 : index
      %get3A_90 = arith.constant 0 : index
      %get3A_91 = vector.load %arg9[%get3A_88, %get3A_89, %get3A_90] : memref<4x576x768xf32, #tpu.memory_space<vmem>>, vector<1x576x768xf32>
      %get3A_92 = vector.shape_cast %get3A_91 : vector<1x576x768xf32> to vector<576x768xf32>
      %get3A_93 = arith.constant 0 : index
      %get3A_94 = arith.constant 0 : index
      %get3A_95 = vector.load %arg6[%get3A_93, %get3A_94] : memref<576x768xf32, #tpu.memory_space<vmem>>, vector<576x768xf32>
      %add3A = arith.addf %get3A_92, %get3A_95 : vector<576x768xf32>
      %get3A_96 = arith.index_cast %scan3A_71 : i32 to index
      %get3A_97 = arith.constant 0 : index
      %get3A_98 = vector.load %arg7[%get3A_96, %get3A_97] : memref<64x768xf32, #tpu.memory_space<vmem>>, vector<1x768xf32>
      %add3A_99 = vector.broadcast %get3A_98 : vector<1x768xf32> to vector<576x768xf32>
      %add3A_100 = arith.addf %add3A, %add3A_99 : vector<576x768xf32>
      %swap3A_101 = arith.index_cast %rem3A_74 : i32 to index
      %swap3A_102 = arith.constant 0 : index
      %swap3A_103 = arith.constant 0 : index
      %swap3A_104 = vector.load %arg10[%swap3A_101, %swap3A_102, %swap3A_103] : memref<4x576x768xf32, #tpu.memory_space<vmem>>, vector<1x576x768xf32>
      %swap3A_105 = vector.shape_cast %swap3A_104 : vector<1x576x768xf32> to vector<576x768xf32>
      %swap3A_106 = vector.shape_cast %add3A_100 : vector<576x768xf32> to vector<1x576x768xf32>
      tpu.vector_store %arg10[%swap3A_101, %swap3A_102, %swap3A_103], %swap3A_106 {strides = array<i32>} : memref<4x576x768xf32, #tpu.memory_space<vmem>>, vector<1x576x768xf32>,
      %mul3A_107 = arith.constant 576 : i32
      %mul3A_108 = arith.muli %scan3A_71, %mul3A_107 : i32
      %dma_start3A_109 = tpu.memref_slice %arg12[%rem3A_74] : memref<4x!tpu.dma_semaphore, #tpu.memory_space<semaphore_mem>> -> memref<1x!tpu.dma_semaphore, #tpu.memory_space<semaphore_mem>>
      %dma_start3A_110 = tpu.memref_squeeze %dma_start3A_109 : memref<1x!tpu.dma_semaphore, #tpu.memory_space<semaphore_mem>> -> memref<!tpu.dma_semaphore, #tpu.memory_space<semaphore_mem>>
      %dma_start3A_111 = arith.constant 0 : i32
      %dma_start3A_112 = tpu.memref_slice %arg5[%mul3A_108, %dma_start3A_111] : memref<36864x768xf32, #tpu.memory_space<hbm>> -> memref<576x768xf32, #tpu.memory_space<hbm>>
      %dma_start3A_113 = arith.constant 0 : i32
      %dma_start3A_114 = arith.constant 0 : i32
      %dma_start3A_115 = tpu.memref_slice %arg10[%rem3A_74, %dma_start3A_113, %dma_start3A_114] : memref<4x576x768xf32, #tpu.memory_space<vmem>> -> memref<1x576x768xf32, #tpu.memory_space<vmem>>
      %dma_start3A_116 = tpu.memref_squeeze %dma_start3A_115 : memref<1x576x768xf32, #tpu.memory_space<vmem>> -> memref<576x768xf32, #tpu.memory_space<vmem>>
      tpu.enqueue_dma source(%dma_start3A_116 : memref<576x768xf32, #tpu.memory_space<vmem>>) target(%dma_start3A_112 : memref<576x768xf32, #tpu.memory_space<hbm>>) target_semaphore(%dma_start3A_110 : memref<!tpu.dma_semaphore, #tpu.memory_space<semaphore_mem>>)
      %add3A_117 = arith.constant 4 : i32
      %add3A_118 = arith.addi %scan3A_71, %add3A_117 : i32
      %lt3A = arith.constant 64 : i32
      %lt3A_119 = arith.cmpi slt, %add3A_118, %lt3A : i32
      %convert_element_type3A_120 = arith.extui %lt3A_119 : i1 to i32
      %cond3A_121 = arith.constant 0 : i32
      %cond3A_122 = arith.cmpi ne, %convert_element_type3A_120, %cond3A_121 : i32
      scf.if %cond3A_122 {
        %add3A_123 = arith.constant 4 : i32
        %add3A_124 = arith.addi %scan3A_71, %add3A_123 : i32
        %sub3A_125 = arith.constant 24 : i32
        %sub3A_126 = arith.subi %add3A_124, %sub3A_125 : i32
        %rem3A_127 = arith.constant 4 : i32
        %rem3A_128 = arith.remsi %sub3A_126, %rem3A_127 : i32
        %mul3A_129 = arith.constant 576 : i32
        %mul3A_130 = arith.muli %add3A_124, %mul3A_129 : i32
        %dma_start3A_131 = tpu.memref_slice %arg11[%rem3A_128] : memref<4x!tpu.dma_semaphore, #tpu.memory_space<semaphore_mem>> -> memref<1x!tpu.dma_semaphore, #tpu.memory_space<semaphore_mem>>
        %dma_start3A_132 = tpu.memref_squeeze %dma_start3A_131 : memref<1x!tpu.dma_semaphore, #tpu.memory_space<semaphore_mem>> -> memref<!tpu.dma_semaphore, #tpu.memory_space<semaphore_mem>>
        %dma_start3A_133 = arith.constant 0 : i32
        %dma_start3A_134 = arith.constant 0 : i32
        %dma_start3A_135 = tpu.memref_slice %arg9[%rem3A_128, %dma_start3A_133, %dma_start3A_134] : memref<4x576x768xf32, #tpu.memory_space<vmem>> -> memref<1x576x768xf32, #tpu.memory_space<vmem>>
        %dma_start3A_136 = tpu.memref_squeeze %dma_start3A_135 : memref<1x576x768xf32, #tpu.memory_space<vmem>> -> memref<576x768xf32, #tpu.memory_space<vmem>>
        %dma_start3A_137 = arith.constant 0 : i32
        %dma_start3A_138 = tpu.memref_slice %arg0[%mul3A_130, %dma_start3A_137] : memref<36864x768xf32, #tpu.memory_space<hbm>> -> memref<576x768xf32, #tpu.memory_space<hbm>>
        tpu.enqueue_dma source(%dma_start3A_138 : memref<576x768xf32, #tpu.memory_space<hbm>>) target(%dma_start3A_136 : memref<576x768xf32, #tpu.memory_space<vmem>>) target_semaphore(%dma_start3A_132 : memref<!tpu.dma_semaphore, #tpu.memory_space<semaphore_mem>>)
      } else {
      }
    }
    %scan3A_65 = arith.constant 40 : i32
    %scan3A_66 = arith.constant 60 : i32
    %scan3A_67 = arith.constant 4 : i32
    %scan3A_68 = arith.addi %scan3A_66, %scan3A_67 : i32
    %scan3A_69 = arith.constant 1 : i32
    scf.for %scan3A_71 = %scan3A_66 to %scan3A_68 step %scan3A_69  : i32 {
      %sub3A = arith.constant 24 : i32
      %sub3A_72 = arith.subi %scan3A_71, %sub3A : i32
      %rem3A_73 = arith.constant 4 : i32
      %rem3A_74 = arith.remsi %sub3A_72, %rem3A_73 : i32
      %mul3A_75 = arith.constant 576 : i32
      %mul3A_76 = arith.muli %scan3A_71, %mul3A_75 : i32
      %dma_wait3A = tpu.memref_slice %arg12[%rem3A_74] : memref<4x!tpu.dma_semaphore, #tpu.memory_space<semaphore_mem>> -> memref<1x!tpu.dma_semaphore, #tpu.memory_space<semaphore_mem>>
      %dma_wait3A_77 = tpu.memref_squeeze %dma_wait3A : memref<1x!tpu.dma_semaphore, #tpu.memory_space<semaphore_mem>> -> memref<!tpu.dma_semaphore, #tpu.memory_space<semaphore_mem>>
      %dma_wait3A_78 = arith.constant 0 : i32
      %dma_wait3A_79 = tpu.memref_slice %arg5[%mul3A_76, %dma_wait3A_78] : memref<36864x768xf32, #tpu.memory_space<hbm>> -> memref<576x768xf32, #tpu.memory_space<hbm>>
      %dma_wait3A_80 = arith.constant 0 : i32
      %dma_wait3A_81 = arith.constant 0 : i32
      %dma_wait3A_82 = tpu.memref_slice %arg10[%rem3A_74, %dma_wait3A_80, %dma_wait3A_81] : memref<4x576x768xf32, #tpu.memory_space<vmem>> -> memref<1x576x768xf32, #tpu.memory_space<vmem>>
      %dma_wait3A_83 = tpu.memref_squeeze %dma_wait3A_82 : memref<1x576x768xf32, #tpu.memory_space<vmem>> -> memref<576x768xf32, #tpu.memory_space<vmem>>
      tpu.wait_dma2 semaphore(%dma_wait3A_77 : memref<!tpu.dma_semaphore, #tpu.memory_space<semaphore_mem>>) src(%dma_wait3A_83 : memref<576x768xf32, #tpu.memory_space<vmem>>) dst(%dma_wait3A_79 : memref<576x768xf32, #tpu.memory_space<hbm>>)
    }
    %scan3A_70 = arith.constant 4 : i32
    return
  }
}

</mosaic_0001>

<sc_bundles>
// kernel: kernel.5.cloned.1.call-start
scs
__scs_entry_jumppad:
0x0: {  	(pc) =	sbr.rel $0x88, $3  }
0x1: {  	(tag) =	ssettag $0x0;
	lr =	simm.s32 $0x1  }
0x2: {  	[smem:$0x3F9C] =	sst lr;
	_ =	strace $0xD0000000  }
0x3: {  	_ = 	snop  }
0x4: {  	_ = 	snop  }
0x5: {  	_ = 	snop  }
0x6: {  	_ = 	snop  }
0x7: {  	_ = 	snop  }
__scs_overlays_trampoline_lowered:
0x8: {  	[smem:$0x3FAB] =	sst s0  }
0x9: {  	[smem:$0x3FAC] =	sst s1  }
0xa: {  	[smem:$0x3FAD] =	sst s2  }
0xb: {  	[smem:$0x3FAE] =	sst s3  }
0xc: {  	[smem:$0x3FAF] =	sst s4  }
0xd: {  	[smem:$0x3FB0] =	sst s5  }
0xe: {  	[smem:$0x3FB1] =	sst s6  }
0xf: {  	[smem:$0x3FB2] =	sst s7  }
0x10: {  	[smem:$0x3FB3] =	sst s8  }
0x11: {  	[smem:$0x3FB4] =	sst s9;
	s0 =	simm.s32 @!p0 $0x0  }
0x12: {  	s1 =	sld [smem:$0x3F9A];
	s0 =	simm.s32 @p0 $0x1  }
0x13: {  	[smem:$0x3FB5] =	sst s0;
	s0 =	simm.s32 @!p1 $0x0  }
0x14: {  	s2 =	sld [smem:$0x3F99];
	s0 =	simm.s32 @p1 $0x1  }
0x15: {  	[smem:$0x3FB6] =	sst s0;
	s0 =	simm.s32 @!p2 $0x0  }
0x16: {  	s3 =	sld [smem:$0x3FDB];
	s0 =	simm.s32 @p2 $0x1  }
0x17: {  	s4 =	simm.s32 $0x1BF5;
	[smem:$0x3FB8] =	sst s0  }
0x18: {  	s0 =	sld [smem:$0x3F9B];
	_ =	swait.ge [sflag:s4], $0x0  }
0x19: {  	s7 =	sld [smem:$0x3F9C]  }
0x1a: {  	s8 =	sadd.s32 $0xFFFFE003, lr  }
0x1b: {  	s9 =	sadd.s32 $0xFFFFFEF7, lr;
	s5 =	simm.s32 $0xFFFFFFFF;
	p2 =	slt.u32 s8, $0xFFFFF086  }
0x1c: {  	p1 =	slt.u32 s9, $0xF7A;
	s5 =	simm.s32 @!p2 $0x0  }
0x1d: {  	s5 =	simm.s32 @p1 $0x1;
	p0 =	seq.s32 s7, s2  }
0x1e: {  	s7 =	smul.u32 @!p0 $0xF7A, s2;
	p2 =	seq.s32 @!p0 s5, $0x0  }
0x1f: {  	s9 =	smul.u32 $0xF7A, s1;
	s8 =	simm.s32 @!p0 $0x1BF5;
	p2 =	por !p2, p0  }
0x20: {  	[sflag:s8] =	ssyncset.s32 @!p0 $0xFFFFF086;
	s6 =	sadd.s32 @!p0 s3, s7;
	s7 =	simm.s32 @!p0 $0x108  }
0x21: {  	s3 =	sadd.s32 s3, s9;
	s6 =	sadd.s32 @!p0 $0x88, s6;
	s7 =	simm.s32 @p2 $0x1082  }
0x22: {  	[simem:s7], [sflag:s8] =	dma.local @!p0 [hbm:s6], $0xF7A  }
0x23: {  	s9 =	sor.u32 $0xD0000000, s2;
	s6 =	simm.s32 $0x108;
	_ =	swait.ge @!p0 [sflag:s8], $0x0  }
0x24: {  	s3 =	sadd.s32 $0x88, s3;
	s6 =	simm.s32 @!p1 $0x1082;
	[sflag:s4] =	ssyncset.s32 $0xFFFFF086  }
0x25: {  	[simem:s6], [sflag:s4] =	dma.local [hbm:s3], $0xF7A  }
0x26: {  	[smem:$0x3F9C] =	sst s1;
	(tag) =	ssettag s2;
	_ =	strace s9  }
0x27: {  	s1 =	sld [smem:$0x3FAC]  }
0x28: {  	s2 =	sld [smem:$0x3FAD]  }
0x29: {  	s4 =	sld [smem:$0x3FAF]  }
0x2a: {  	p0 =	seq.s32 s5, $0x0;
	s5 =	sld [smem:$0x3FB0]  }
0x2b: {  	s6 =	sld [smem:$0x3FB1]  }
0x2c: {  	s7 =	sld [smem:$0x3FB2]  }
0x2d: {  	s3 =	simm.s32 $0x108;
	s8 =	sld [smem:$0x3FB3]  }
0x2e: {  	s3 =	simm.s32 @!p0 $0x1082;
	s9 =	sld [smem:$0x3FB4]  }
0x2f: {  	lr =	sadd.s32 s0, s3;
	s0 =	sld [smem:$0x3FAB]  }
0x30: {  	s3 =	sld [smem:$0x3FAE]  }
0x31: {  	[smem:$0x3FB7] =	sst s10  }
0x32: {  	s10 =	sld [smem:$0x3FB5];
	_ =	sdelay $0x3  }
0x33: {  	p0 =	seq.s32 s10, $0x1;
	s10 =	sld [smem:$0x3FB7];
	_ =	sdelay $0x3  }
0x34: {  	[smem:$0x3FB7] =	sst s10  }
0x35: {  	s10 =	sld [smem:$0x3FB6];
	_ =	sdelay $0x3  }
0x36: {  	p1 =	seq.s32 s10, $0x1;
	s10 =	sld [smem:$0x3FB7];
	_ =	sdelay $0x3  }
0x37: {  	[smem:$0x3FB7] =	sst s10  }
0x38: {  	s10 =	sld [smem:$0x3FB8]  }
0x39: {  	_ = 	snop;
	(pc) =	sbr.ind lr, $3  }
0x3a: {  	_ = 	snop  }
0x3b: {  	_ = 	snop  }
0x3c: {  	p2 =	seq.s32 s10, $0x1;
	s10 =	sld [smem:$0x3FB7]  }
0x3d: {  	_ =	shalt  }
0x3e: {  	_ =	shalt  }
0x3f: {  	_ =	shalt  }
0x40: {  	_ =	shalt  }
0x41: {  	_ =	shalt  }
0x42: {  	_ =	shalt  }
0x43: {  	_ =	shalt  }
0x44: {  	_ =	shalt  }
0x45: {  	_ =	shalt  }
0x46: {  	_ =	shalt  }
0x47: {  	_ =	shalt  }
0x48: {  	_ =	shalt  }
0x49: {  	_ =	shalt  }
0x4a: {  	_ =	shalt  }
0x4b: {  	_ =	shalt  }
0x4c: {  	_ =	shalt  }
0x4d: {  	_ =	shalt  }
0x4e: {  	_ =	shalt  }
0x4f: {  	_ =	shalt  }
0x50: {  	_ =	shalt  }
0x51: {  	_ =	shalt  }
0x52: {  	_ =	shalt  }
0x53: {  	_ =	shalt  }
0x54: {  	_ =	shalt  }
0x55: {  	_ =	shalt  }
0x56: {  	_ =	shalt  }
0x57: {  	_ =	shalt  }
0x58: {  	_ =	shalt  }
0x59: {  	_ =	shalt  }
0x5a: {  	_ =	shalt  }
0x5b: {  	_ =	shalt  }
0x5c: {  	_ =	shalt  }
0x5d: {  	_ =	shalt  }
0x5e: {  	_ =	shalt  }
0x5f: {  	_ =	shalt  }
0x60: {  	_ =	shalt  }
0x61: {  	_ =	shalt  }
0x62: {  	_ =	shalt  }
0x63: {  	_ =	shalt  }
0x64: {  	_ =	shalt  }
0x65: {  	_ =	shalt  }
0x66: {  	_ =	shalt  }
0x67: {  	_ =	shalt  }
0x68: {  	_ =	shalt  }
0x69: {  	_ =	shalt  }
0x6a: {  	_ =	shalt  }
0x6b: {  	_ =	shalt  }
0x6c: {  	_ =	shalt  }
0x6d: {  	_ =	shalt  }
0x6e: {  	_ =	shalt  }
0x6f: {  	_ =	shalt  }
0x70: {  	_ =	shalt  }
0x71: {  	_ =	shalt  }
0x72: {  	_ =	shalt  }
0x73: {  	_ =	shalt  }
0x74: {  	_ =	shalt  }
0x75: {  	_ =	shalt  }
0x76: {  	_ =	shalt  }
0x77: {  	_ =	shalt  }
0x78: {  	_ =	shalt  }
0x79: {  	_ =	shalt  }
0x7a: {  	_ =	shalt  }
0x7b: {  	_ =	shalt  }
0x7c: {  	_ =	shalt  }
0x7d: {  	_ =	shalt  }
0x7e: {  	_ =	shalt  }
0x7f: {  	_ =	shalt  }
0x80: {  	_ =	shalt  }
0x81: {  	_ =	shalt  }
0x82: {  	_ =	shalt  }
0x83: {  	_ =	shalt  }
0x84: {  	_ =	shalt  }
0x85: {  	_ =	shalt  }
0x86: {  	_ =	shalt  }
0x87: {  	_ =	shalt  }
.Lfunc_end0:
.L_simem_size_0:
called_computation_lowered:
.L_overlay_start_0:
0x88: {  	s0 =	sld [smem:$0x3FD9]  }
0x89: {  	s1 =	sld [smem:$0x3FFE];
	_ =	sdelay $0x3  }
0x8a: {  	s0 =	sadd.s32 s1, s0  }
0x8b: {  	[smem:$0x3FC3] =	sst s0  }
0x8c: {  	_ = 	snop  }
0x8d: {  	s0 =	simm.s32 $0x0;
	s22 =	sld [smem:$0x3FC8]  }
0x8e: {  	[smem:$0xF] =	sst s0  }
0x8f: {  	s2 =	sld [smem:$0x3FC5];
	(tm) =	ssettm $0x1  }
0x90: {  	s3 =	sld [smem:$0x3FFB];
	_ =	sdelay $0x3  }
0x91: {  	_ =	strace s3  }
0x92: {  	s3 =	sld [smem:$0x3FFC];
	_ =	sdelay $0x3  }
0x93: {  	_ =	strace s3  }
0x94: {  	s3 =	sld [smem:$0x3FFD];
	_ =	sdelay $0x3  }
0x95: {  	_ =	strace s3  }
0x96: {  	s23 =	simm.s32 $0x1B8B;
	_ =	strace $0x8FFFFFFF  }
0x97: {  	_ =	swait.ge [sflag:s23], $0x1  }
0x98: {  	[sflag:s23] =	ssyncset.done $0x0  }
0x99: {  	s4 =	simm.s32 $0x1B8E;
	[sflag:s23] =	ssyncadd.s32 $0xFFFFFFFF  }
0x9a: {  	s25 =	simm.s32 $0xA;
	[smem:$0x3FD2] =	sst s4  }
0x9b: {  	s5 =	simm.s32 $0x10;
	s24 =	sld [smem:$0x3FFE];
	_ =	strace $0x80000046  }
0x9c: {  	[smem:s5], [sflag:s25] =	dma.local [hbm:s22], $0x10  }
0x9d: {  	_ =	swait.ge [sflag:s25], $0x10  }
0x9e: {  	[sflag:s25] =	ssyncset.done $0x0  }
0x9f: {  	[sflag:s25] =	ssyncadd.s32 $0xFFFFFFF0;
	_ =	sdelay $0x1  }
0xa0: {  	[spmem:s0], [sflag:s25] =	dma.local [hbm:s2], $0x180  }
0xa1: {  	_ =	swait.ge [sflag:s25], $0x180  }
0xa2: {  	[sflag:s25] =	ssyncset.done $0x0  }
0xa3: {  	[sflag:s25] =	ssyncadd.s32 $0xFFFFFE80  }
0xa4: {  	s26 =	sld [smem:$0x10];
	_ =	sdelay $0x1  }
0xa5: {  	s28 =	simm.s32 $0x0  }
0xa6: {  	s30 =	smul.u32 $0x1800, s28  }
0xa7: {  	s8 =	simm.s32 $0x11;
	s7 =	sand.u32 $0x380, s0;
	s29 =	sshrl.u32 s26, $0x2  }
0xa8: {  	s9 =	simm.s32 $0x2;
	s7 =	sor.u32 s7, s30;
	s6 =	smul.u32 $0x3000, s29  }
0xa9: {  	s31 =	sshrl.u32 s7, $0x3;
	s4 =	simm.s32 $0x80;
	s1 =	sshll.u32 s26, $0x7  }
0xaa: {  	s3 =	sadd.s32 $0xE00, s24;
	s1 =	sand.u32 $0x180, s1;
	s6 =	sshra.s32 s6, $0x2  }
0xab: {  	s5 =	simm.s32 $0x9;
	s7 =	sadd.s32 s3, s31;
	s1 =	sor.u32 s1, s6  }
0xac: {  	s2 =	simm.s32 $0x1;
	s6 =	simm.s32 $0x40;
	s1 =	sshrl.u32 s1, $0x3  }
0xad: {  	[hbm:s7@s4], [sflag:s5] =	dma.strided [spmem:s1@s6], $0x60, s2, $0x10   }
0xae: {  	s1 =	srdreg.scid;
	s7 =	simm.s32 $0x1;
	s10 =	sld [smem:$0x11]  }
.LBB1_1:
0xaf: {  	p0 =	sne.s32 s9, $0x3F;
	_ =	sdelay $0x1  }
0xb0: {  	s11 =	sshrl.u32 s7, $0x3;
	s7 =	smov.u32 s9  }
0xb1: {  	s11 =	smul.u32 $0x1800, s11;
	s12 =	sshrl.u32 s10, $0x2  }
0xb2: {  	s0 =	sadd.s32 $0x80, s0;
	s12 =	smul.u32 $0x3000, s12  }
0xb3: {  	s8 =	sadd.s32 $0x1, s8;
	s13 =	sand.u32 $0x380, s0;
	s10 =	sshll.u32 s10, $0x7  }
0xb4: {  	s11 =	sor.u32 s13, s11;
	s10 =	sand.u32 $0x180, s10;
	s12 =	sshra.s32 s12, $0x2  }
.Ltmp0:
0xb5: {  	s11 =	sshrl.u32 s11, $0x3;
	s10 =	sor.u32 s10, s12;
	(pc) =	sbr.rel @p0 .LBB1_1-.Ltmp0, $3  }
0xb6: {  	s11 =	sadd.s32 s3, s11;
	s10 =	sshrl.u32 s10, $0x3  }
0xb7: {  	[hbm:s11@s4], [sflag:s5] =	dma.strided [spmem:s10@s6], $0x60, s2, $0x10   }
0xb8: {  	s9 =	sadd.s32 $0x1, s9;
	s10 =	sld [smem:s8+$0x0]  }
0xb9: {  	_ =	sdelay $0x1  }
0xba: {  	s6 =	sshrl.u32 s7, $0x3  }
0xbb: {  	s6 =	smul.u32 $0x1800, s6;
	s28 =	sshrl.u32 s10, $0x2  }
0xbc: {  	s0 =	sadd.s32 $0x80, s0;
	s7 =	smul.u32 $0x3000, s28  }
0xbd: {  	s0 =	sand.u32 $0x380, s0;
	s8 =	sshll.u32 s10, $0x7  }
0xbe: {  	s0 =	sor.u32 s0, s6;
	s8 =	sand.u32 $0x180, s8;
	s7 =	sshra.s32 s7, $0x2  }
0xbf: {  	s31 =	simm.s32 $0x40;
	s0 =	sshrl.u32 s0, $0x3;
	s29 =	sor.u32 s8, s7  }
0xc0: {  	p0 =	por $0x1, $0x1;
	s0 =	sadd.s32 s3, s0;
	s30 =	sshrl.u32 s29, $0x3  }
0xc1: {  	[hbm:s0@s4], [sflag:s5] =	dma.strided [spmem:s30@s31], $0x60, s2, $0x10   }
.Ltmp1:
0xc2: {  	_ = 	snop;
	(pc) =	sbr.rel @!p0 .LBB1_4-.Ltmp1, $3  }
0xc3: {  	s0 =	simm.s32 $0x9  }
0xc4: {  	_ =	swait.ge [sflag:s0], $0x60  }
0xc5: {  	s2 =	simm.s32 $0x3F;
	[sflag:s0] =	ssyncset.done $0x0  }
.LBB1_3:
0xc6: {  	p0 =	sne.s32 s2, $0x1;
	s2 =	sadd.s32 $0xFFFFFFFF, s2;
	[sflag:s0] =	ssyncadd.s32 $0xFFFFFFA0  }
.Ltmp2:
0xc7: {  	(pc) =	sbr.rel @p0 .LBB1_3-.Ltmp2, $3  }
0xc8: {  	_ = 	snop  }
0xc9: {  	_ =	swait.ge [sflag:s0], $0x60  }
0xca: {  	[sflag:s0] =	ssyncset.done $0x0  }
.LBB1_4:
0xcb: {  	[sflag:s0] =	ssyncadd.s32 $0xFFFFFFA0  }
0xcc: {  	_ =	strace $0x90000046  }
0xcd: {  	_ =	sfence  }
0xce: {  	s30 =	sld [smem:$0x0];
	_ =	sdelay $0x2  }
0xcf: {  	s2 =	sshll.u32 s1, $0xD;
	s3 =	sshrl.u32 s1, $0x2  }
0xd0: {  	s31 =	sand.u32 $0x1, s1;
	s2 =	sand.u32 $0x4000, s2;
	s0 =	sadd.s32 s3, s30  }
0xd1: {  	s1 =	sor.u32 s2, s31;
	s0 =	sshll.u32 s0, $0x11  }
0xd2: {  	s0 =	sor.u32 s0, s1  }
0xd3: {  	s0 =	sadd.s32 $0x8F2B, s0;
	(pc) =	sbr.abs _section_cstart, $3  }
0xd4: {  	[sflag:s0] =	ssyncadd.remote.s32 $0x1  }
0xd5: {  	_ =	strace $0x9FFFFFFF  }
0xd6: {  	(tm) =	ssettm $0x7FFFFFFF  }
0xd7: {  	_ =	shalt  }

</sc_bundles>
